<compile_context>
chip_gen: v7x
topology: tpu7x:2x2x1
jax: 0.10.2.dev20260603
libtpu: 0.0.44.dev20260713+nightly
codegen_flags: <defaults>
</compile_context>

<pallas_src>
import jax
import jax.numpy as jnp
from jax import lax
from jax.experimental import pallas as pl
from jax.experimental.pallas import tpu as pltpu
from jax.experimental.pallas import tpu_sc as plsc

N = 10000
D = 128
NC = 2
NS = 16
NW = NC * NS
K = 128
CH = 80
CH0 = 144
CH1 = 16
ST0 = 48
ST1 = 16
E_PAD = NW * CH * K
N_SP = 10112
RPT = N_SP // NS
PAD_ROW = N

_mesh = plsc.VectorSubcoreMesh(core_axis_name="c", subcore_axis_name="s")


def _deg_body(dstm_hbm, out_hbm, dst_v, rows_v, acc, sem):
    cid = lax.axis_index("c")
    sid = lax.axis_index("s")
    wid = cid * NS + sid

    @pl.loop(0, K)
    def _(r):
        @pl.loop(0, D, step=16)
        def _(c):
            rows_v[r, pl.ds(c, 16)] = jnp.zeros((16,), jnp.float32)

    base = sid * RPT
    @pl.loop(0, RPT - (RPT % K), step=K)
    def _(j):
        pltpu.sync_copy(rows_v, acc.at[pl.ds(base + j, K)])
    pltpu.sync_copy(rows_v.at[pl.ds(0, RPT % K)],
                    acc.at[pl.ds(base + RPT - (RPT % K), RPT % K)])

    @pl.loop(0, K)
    def _(r):
        rows_v[r, pl.ds(0, 16)] = jnp.ones((16,), jnp.float32)
    plsc.subcore_barrier()

    pltpu.sync_copy(dstm_hbm.at[pl.ds(wid * CH, CH)], dst_v)

    @pl.loop(0, CH)
    def _(j):
        pltpu.sync_copy(rows_v, acc.at[dst_v.at[j]], add=True)

    plsc.subcore_barrier()
    pltpu.sync_copy(acc.at[pl.ds(base, RPT)], out_hbm.at[cid, pl.ds(base, RPT)])


@jax.jit
def _sc_deg(dstm):
    f = pl.kernel(
        _deg_body,
        out_type=jax.ShapeDtypeStruct((NC, N_SP, D), jnp.float32),
        mesh=_mesh,
        scratch_types=[
            pltpu.VMEM((CH, K), jnp.int32),
            pltpu.VMEM((K, D), jnp.float32),
            pltpu.VMEM_SHARED((N_SP, D), jnp.float32),
            pltpu.SemaphoreType.DMA,
        ],
    )
    return f(dstm)


def _scatter_body(ga_hbm, gb_hbm, srcm_hbm, dstm_hbm, out_hbm, src_v, dst_v,
                  rows_a, rows_b, acc, sem_ga, sem_gb, sem_sa, sem_sb):
    cid = lax.axis_index("c")
    sid = lax.axis_index("s")
    wid = cid * NS + sid

    @pl.loop(0, K)
    def _(r):
        @pl.loop(0, D, step=16)
        def _(c):
            rows_a[r, pl.ds(c, 16)] = jnp.zeros((16,), jnp.float32)

    base = sid * RPT
    @pl.loop(0, RPT - (RPT % K), step=K)
    def _(j):
        pltpu.sync_copy(rows_a, acc.at[pl.ds(base + j, K)])
    pltpu.sync_copy(rows_a.at[pl.ds(0, RPT % K)],
                    acc.at[pl.ds(base + RPT - (RPT % K), RPT % K)])
    plsc.subcore_barrier()

    def run(g_hbm, ch_half, n_stages, rowbase):
        for h in range(n_stages):
            rb = rowbase + h * ch_half
            pltpu.sync_copy(srcm_hbm.at[pl.ds(rb, ch_half)],
                            src_v.at[pl.ds(0, ch_half)])
            pltpu.sync_copy(dstm_hbm.at[pl.ds(rb, ch_half)],
                            dst_v.at[pl.ds(0, ch_half)])
            pltpu.async_copy(g_hbm.at[src_v.at[0]], rows_a, sem_ga)
            pltpu.async_copy(g_hbm.at[src_v.at[1]], rows_b, sem_gb)

            @pl.loop(0, ch_half, step=2)
            def _(j):
                pltpu.make_async_copy(g_hbm.at[src_v.at[j]], rows_a,
                                      sem_ga).wait()
                pltpu.async_copy(rows_a, acc.at[dst_v.at[j]], sem_sa,
                                 add=True)
                pltpu.make_async_copy(g_hbm.at[src_v.at[j + 1]], rows_b,
                                      sem_gb).wait()
                pltpu.async_copy(rows_b, acc.at[dst_v.at[j + 1]], sem_sb,
                                 add=True)
                pltpu.make_async_copy(rows_a, acc.at[dst_v.at[j]],
                                      sem_sa).wait()

                @pl.when(j + 2 < ch_half)
                def _():
                    pltpu.async_copy(g_hbm.at[src_v.at[j + 2]], rows_a, sem_ga)
                pltpu.make_async_copy(rows_b, acc.at[dst_v.at[j + 1]],
                                      sem_sb).wait()

                @pl.when(j + 3 < ch_half)
                def _():
                    pltpu.async_copy(g_hbm.at[src_v.at[j + 3]], rows_b, sem_gb)

    @pl.when(cid == 0)
    def _():
        run(ga_hbm, ST0, CH0 // ST0, sid * CH0)

    @pl.when(cid == 1)
    def _():
        run(gb_hbm, ST1, CH1 // ST1, NS * CH0 + sid * CH1)

    plsc.subcore_barrier()
    pltpu.sync_copy(acc.at[pl.ds(base, RPT)], out_hbm.at[cid, pl.ds(base, RPT)])


@jax.jit
def _sc_scatter(ga, gb, srcm, dstm):
    f = pl.kernel(
        _scatter_body,
        out_type=jax.ShapeDtypeStruct((NC, N_SP, D), jnp.float32),
        mesh=_mesh,
        scratch_types=[
            pltpu.VMEM((ST0, K), jnp.int32),
            pltpu.VMEM((ST0, K), jnp.int32),
            pltpu.VMEM((K, D), jnp.float32),
            pltpu.VMEM((K, D), jnp.float32),
            pltpu.VMEM_SHARED((N_SP, D), jnp.float32),
            pltpu.SemaphoreType.DMA,
            pltpu.SemaphoreType.DMA,
            pltpu.SemaphoreType.DMA,
            pltpu.SemaphoreType.DMA,
        ],
    )
    return f(ga, gb, srcm, dstm)


def _tc1_body(x_ref, w1_ref, degp_ref, g1_ref, g1b_ref, dis_ref):
    deg = degp_ref[0, :N, 0:1] + degp_ref[1, :N, 0:1] + 1.0
    dis = lax.rsqrt(deg)
    h = jnp.dot(x_ref[...], w1_ref[...], preferred_element_type=jnp.float32)
    g1 = h * dis
    g1_ref[...] = g1
    g1b_ref[...] = g1
    dis_ref[...] = dis


def _tc2_body(g1_ref, aggp_ref, dis_ref, w2_ref, b1_ref, g2_ref, g2b_ref):
    agg = aggp_ref[0, :N, :] + aggp_ref[1, :N, :]
    dis = dis_ref[...]
    s = (agg + g1_ref[...]) * dis + b1_ref[...]
    h2 = jnp.maximum(s, 0.0)
    g2 = jnp.dot(h2, w2_ref[...], preferred_element_type=jnp.float32) * dis
    g2_ref[...] = g2
    g2b_ref[...] = g2


def _tc3_body(g2_ref, aggp_ref, dis_ref, b2_ref, ge_ref, out_ref):
    agg = aggp_ref[0, :N, :] + aggp_ref[1, :N, :]
    out = (agg + g2_ref[...]) * dis_ref[...] + b2_ref[...]
    out_ref[...] = out
    ge_ref[...] = jnp.mean(out, axis=0, keepdims=True)


@jax.jit
def _tc1(x, W1, degp):
    return pl.pallas_call(
        _tc1_body,
        out_shape=[jax.ShapeDtypeStruct((N, D), jnp.float32),
                   jax.ShapeDtypeStruct((N, D), jnp.float32),
                   jax.ShapeDtypeStruct((N, 1), jnp.float32)],
    )(x, W1, degp)


@jax.jit
def _tc2(g1, aggp, dis, W2, b1):
    return pl.pallas_call(
        _tc2_body,
        out_shape=[jax.ShapeDtypeStruct((N, D), jnp.float32),
                   jax.ShapeDtypeStruct((N, D), jnp.float32)],
    )(g1, aggp, dis, W2, b1)


@jax.jit
def _tc3(g2, aggp, dis, b2):
    return pl.pallas_call(
        _tc3_body,
        out_shape=[jax.ShapeDtypeStruct((1, D), jnp.float32),
                   jax.ShapeDtypeStruct((N, D), jnp.float32)],
    )(g2, aggp, dis, b2)


@jax.jit
def kernel(x, edge_index, W1, b1, W2, b2):
    ei = edge_index.astype(jnp.int32)
    pad = E_PAD - ei.shape[1]
    srcm = jnp.concatenate(
        [ei[0], jnp.zeros((pad,), jnp.int32)]).reshape(NW * CH, K)
    dstm = jnp.concatenate(
        [ei[1], jnp.full((pad,), PAD_ROW, jnp.int32)]).reshape(NW * CH, K)

    degp = _sc_deg(dstm)
    g1, g1b, dis = _tc1(x, W1, degp)
    aggp1 = _sc_scatter(g1, g1b, srcm, dstm)
    g2, g2b = _tc2(g1, aggp1, dis, W2, b1.reshape(1, D))
    aggp2 = _sc_scatter(g2, g2b, srcm, dstm)
    ge, out = _tc3(g2, aggp2, dis, b2.reshape(1, D))
    return (ge, out)

# --- scband reference (transcript-rebuilt; emitter-appended) ---
"""Pipeline reference for scband-table-gcn-71038759076318 (READ-ONLY COPY).

The authoritative reference and input builder live on the scoring server;
editing this copy changes nothing except your own understanding.
"""

import jax, jax.numpy as jnp
import numpy as np

N_NODES = 10000
N_EDGES = 320000
D = 128


def gcn_conv(x, edge_index, W, b, num_nodes):
    # PyG GCNConv: linear transform, add self-loops, symmetric normalization, scatter-add aggregate
    x = x @ W
    src = edge_index[0]
    dst = edge_index[1]
    loop = jnp.arange(num_nodes, dtype=edge_index.dtype)
    src = jnp.concatenate([src, loop])
    dst = jnp.concatenate([dst, loop])
    deg = jnp.zeros((num_nodes,), dtype=x.dtype).at[dst].add(1.0)
    deg_inv_sqrt = jnp.where(deg > 0, jax.lax.rsqrt(jnp.maximum(deg, 1e-12)), 0.0)
    norm = deg_inv_sqrt[src] * deg_inv_sqrt[dst]
    msg = x[src] * norm[:, None]
    out = jnp.zeros_like(x).at[dst].add(msg)
    return out + b


def setup_inputs(seed: int = 0) -> dict:
    key = jax.random.key(seed)
    k_x, k_e, k_w1, k_w2 = jax.random.split(key, 4)
    x = jax.random.normal(k_x, (N_NODES, D), dtype=jnp.float32)
    edge_index = jax.random.randint(k_e, (2, N_EDGES), 0, N_NODES, dtype=jnp.int64)
    scale = 1.0 / np.sqrt(D)
    W1 = jax.random.normal(k_w1, (D, D), dtype=jnp.float32) * scale
    b1 = jnp.zeros((D,), dtype=jnp.float32)
    W2 = jax.random.normal(k_w2, (D, D), dtype=jnp.float32) * scale
    b2 = jnp.zeros((D,), dtype=jnp.float32)
    return {"x": x, "edge_index": edge_index, "W1": W1, "b1": b1, "W2": W2, "b2": b2}


def reference(x, edge_index, W1, b1, W2, b2):
    num_nodes = x.shape[0]
    h = gcn_conv(x, edge_index, W1, b1, num_nodes)
    h = jax.nn.relu(h)
    out = gcn_conv(h, edge_index, W2, b2, num_nodes)
    graph_embedding = jnp.mean(out, axis=0, keepdims=True)
    return (graph_embedding, out)

if __name__ == "__main__":
    import jax
    _d = setup_inputs()
    print(jax.jit(kernel)(*tuple(_d.values())))

</pallas_src>

<mosaic_0001>
#map = affine_map<(d0, d1) -> (0, 0)>
#map1 = affine_map<(d0, d1) -> (0, 0, 0)>
module attributes {stable_mosaic.version = 14 : i64} {
  func.func @_deg_body(%arg0: i32, %arg1: i32, %arg2: memref<2560x128xi32, #tpu.memory_space<hbm>>, %arg3: memref<2x10112x128xf32, #tpu.memory_space<hbm>>, %arg4: memref<80x128xi32, #tpu.memory_space<vmem>>, %arg5: memref<128x128xf32, #tpu.memory_space<vmem>>, %arg6: memref<10112x128xf32, #tpu.memory_space<vmem_shared>>, %arg7: memref<!tpu.dma_semaphore, #tpu.memory_space<semaphore_mem>>) attributes {dimension_semantics = [#tpu.dimension_semantics<core_parallel>, #tpu.dimension_semantics<subcore_parallel>], iteration_bounds = array<i64: 2, 16>, scalar_prefetch = 0 : i64, scratch_operands = 4 : i64, tpu.core_type = #tpu.core_type<sc_vector_subcore>, window_params = [{transform_indices = #map}, {transform_indices = #map1}]} {
    %mul3A = arith.constant 16 : i32
    %mul3A_0 = arith.muli %arg0, %mul3A : i32
    %add3A = arith.addi %mul3A_0, %arg1 : i32
    %scan3A = arith.constant 0 : i32
    %scan3A_1 = arith.constant 128 : i32
    %scan3A_2 = arith.addi %scan3A, %scan3A_1 : i32
    %scan3A_3 = arith.constant 1 : i32
    scf.for %scan3A_28 = %scan3A to %scan3A_2 step %scan3A_3  : i32 {
      %mul3A_29 = arith.constant 1 : i32
      %mul3A_30 = arith.muli %scan3A_28, %mul3A_29 : i32
      %add3A_31 = arith.constant 0 : i32
      %add3A_32 = arith.addi %add3A_31, %mul3A_30 : i32
      %scan3A_33 = arith.constant 0 : i32
      %scan3A_34 = arith.constant 8 : i32
      %scan3A_35 = arith.addi %scan3A_33, %scan3A_34 : i32
      %scan3A_36 = arith.constant 1 : i32
      scf.for %scan3A_38 = %scan3A_33 to %scan3A_35 step %scan3A_36  : i32 {
        %mul3A_39 = arith.constant 16 : i32
        %mul3A_40 = arith.muli %scan3A_38, %mul3A_39 : i32
        %add3A_41 = arith.constant 0 : i32
        %add3A_42 = arith.addi %add3A_41, %mul3A_40 : i32
        %broadcast_in_dim3A = arith.constant 0.000000e+00 : f32
        %broadcast_in_dim3A_43 = vector.broadcast %broadcast_in_dim3A : f32 to vector<16xf32>
        %swap3A = arith.index_cast %add3A_32 : i32 to index
        %swap3A_44 = arith.index_cast %add3A_42 : i32 to index
        %swap3A_45 = tpu.vector_load %arg5[%swap3A, %swap3A_44] {strides = array<i32>} : memref<128x128xf32, #tpu.memory_space<vmem>>, vector<1x16xf32>,
        %swap3A_46 = vector.shape_cast %swap3A_45 : vector<1x16xf32> to vector<16xf32>
        %swap3A_47 = vector.shape_cast %broadcast_in_dim3A_43 : vector<16xf32> to vector<1x16xf32>
        tpu.vector_store %arg5[%swap3A, %swap3A_44], %swap3A_47 {strides = array<i32>} : memref<128x128xf32, #tpu.memory_space<vmem>>, vector<1x16xf32>,
      }
      %scan3A_37 = arith.constant 8 : i32
    }
    %scan3A_4 = arith.constant 128 : i32
    %mul3A_5 = arith.constant 632 : i32
    %mul3A_6 = arith.muli %arg1, %mul3A_5 : i32
    %scan3A_7 = arith.constant 0 : i32
    %scan3A_8 = arith.constant 4 : i32
    %scan3A_9 = arith.addi %scan3A_7, %scan3A_8 : i32
    %scan3A_10 = arith.constant 1 : i32
    scf.for %scan3A_28 = %scan3A_7 to %scan3A_9 step %scan3A_10  : i32 {
      %mul3A_29 = arith.constant 128 : i32
      %mul3A_30 = arith.muli %scan3A_28, %mul3A_29 : i32
      %add3A_31 = arith.constant 0 : i32
      %add3A_32 = arith.addi %add3A_31, %mul3A_30 : i32
      %add3A_33 = arith.addi %mul3A_6, %add3A_32 : i32
      "tpu.region"() ({
        %run_scoped3A = tpu.sem_alloc : memref<!tpu.dma_semaphore, #tpu.memory_space<semaphore_mem>>
        %dma_start3A = arith.constant 0 : i32
        %dma_start3A_34 = tpu.memref_slice %arg6[%add3A_33, %dma_start3A] : memref<10112x128xf32, #tpu.memory_space<vmem_shared>> -> memref<128x128xf32, #tpu.memory_space<vmem_shared>>
        %dma_start3A_35 = arith.constant 0 : i32
        %dma_start3A_36 = tpu.memref_slice %arg6[%add3A_33, %dma_start3A_35] : memref<10112x128xf32, #tpu.memory_space<vmem_shared>> -> memref<128x128xf32, #tpu.memory_space<vmem_shared>>
        tpu.enqueue_dma source(%arg5 : memref<128x128xf32, #tpu.memory_space<vmem>>) target(%dma_start3A_36 : memref<128x128xf32, #tpu.memory_space<vmem_shared>>) target_semaphore(%run_scoped3A : memref<!tpu.dma_semaphore, #tpu.memory_space<semaphore_mem>>)
        %dma_wait3A = arith.constant 0 : i32
        %dma_wait3A_37 = tpu.memref_slice %arg6[%add3A_33, %dma_wait3A] : memref<10112x128xf32, #tpu.memory_space<vmem_shared>> -> memref<128x128xf32, #tpu.memory_space<vmem_shared>>
        %dma_wait3A_38 = arith.constant 0 : i32
        %dma_wait3A_39 = tpu.memref_slice %arg6[%add3A_33, %dma_wait3A_38] : memref<10112x128xf32, #tpu.memory_space<vmem_shared>> -> memref<128x128xf32, #tpu.memory_space<vmem_shared>>
        tpu.wait_dma2 semaphore(%run_scoped3A : memref<!tpu.dma_semaphore, #tpu.memory_space<semaphore_mem>>) src(%arg5 : memref<128x128xf32, #tpu.memory_space<vmem>>) dst(%dma_wait3A_39 : memref<128x128xf32, #tpu.memory_space<vmem_shared>>)
        tpu.yield
      }) : () -> ()
    }
    %scan3A_11 = arith.constant 4 : i32
    %add3A_12 = arith.constant 632 : i32
    %add3A_13 = arith.addi %mul3A_6, %add3A_12 : i32
    %sub3A = arith.constant 120 : i32
    %sub3A_14 = arith.subi %add3A_13, %sub3A : i32
    "tpu.region"() ({
      %run_scoped3A = tpu.sem_alloc : memref<!tpu.dma_semaphore, #tpu.memory_space<semaphore_mem>>
      %dma_start3A = arith.constant 0 : i32
      %dma_start3A_28 = arith.constant 0 : i32
      %dma_start3A_29 = tpu.memref_slice %arg5[%dma_start3A, %dma_start3A_28] : memref<128x128xf32, #tpu.memory_space<vmem>> -> memref<120x128xf32, #tpu.memory_space<vmem>>
      %dma_start3A_30 = arith.constant 0 : i32
      %dma_start3A_31 = tpu.memref_slice %arg6[%sub3A_14, %dma_start3A_30] : memref<10112x128xf32, #tpu.memory_space<vmem_shared>> -> memref<120x128xf32, #tpu.memory_space<vmem_shared>>
      %dma_start3A_32 = arith.constant 0 : i32
      %dma_start3A_33 = tpu.memref_slice %arg6[%sub3A_14, %dma_start3A_32] : memref<10112x128xf32, #tpu.memory_space<vmem_shared>> -> memref<120x128xf32, #tpu.memory_space<vmem_shared>>
      %dma_start3A_34 = arith.constant 0 : i32
      %dma_start3A_35 = arith.constant 0 : i32
      %dma_start3A_36 = tpu.memref_slice %arg5[%dma_start3A_34, %dma_start3A_35] : memref<128x128xf32, #tpu.memory_space<vmem>> -> memref<120x128xf32, #tpu.memory_space<vmem>>
      tpu.enqueue_dma source(%dma_start3A_36 : memref<120x128xf32, #tpu.memory_space<vmem>>) target(%dma_start3A_33 : memref<120x128xf32, #tpu.memory_space<vmem_shared>>) target_semaphore(%run_scoped3A : memref<!tpu.dma_semaphore, #tpu.memory_space<semaphore_mem>>)
      %dma_wait3A = arith.constant 0 : i32
      %dma_wait3A_37 = arith.constant 0 : i32
      %dma_wait3A_38 = tpu.memref_slice %arg5[%dma_wait3A, %dma_wait3A_37] : memref<128x128xf32, #tpu.memory_space<vmem>> -> memref<120x128xf32, #tpu.memory_space<vmem>>
      %dma_wait3A_39 = arith.constant 0 : i32
      %dma_wait3A_40 = tpu.memref_slice %arg6[%sub3A_14, %dma_wait3A_39] : memref<10112x128xf32, #tpu.memory_space<vmem_shared>> -> memref<120x128xf32, #tpu.memory_space<vmem_shared>>
      %dma_wait3A_41 = arith.constant 0 : i32
      %dma_wait3A_42 = tpu.memref_slice %arg6[%sub3A_14, %dma_wait3A_41] : memref<10112x128xf32, #tpu.memory_space<vmem_shared>> -> memref<120x128xf32, #tpu.memory_space<vmem_shared>>
      %dma_wait3A_43 = arith.constant 0 : i32
      %dma_wait3A_44 = arith.constant 0 : i32
      %dma_wait3A_45 = tpu.memref_slice %arg5[%dma_wait3A_43, %dma_wait3A_44] : memref<128x128xf32, #tpu.memory_space<vmem>> -> memref<120x128xf32, #tpu.memory_space<vmem>>
      tpu.wait_dma2 semaphore(%run_scoped3A : memref<!tpu.dma_semaphore, #tpu.memory_space<semaphore_mem>>) src(%dma_wait3A_45 : memref<120x128xf32, #tpu.memory_space<vmem>>) dst(%dma_wait3A_42 : memref<120x128xf32, #tpu.memory_space<vmem_shared>>)
      tpu.yield
    }) : () -> ()
    %scan3A_15 = arith.constant 0 : i32
    %scan3A_16 = arith.constant 128 : i32
    %scan3A_17 = arith.addi %scan3A_15, %scan3A_16 : i32
    %scan3A_18 = arith.constant 1 : i32
    scf.for %scan3A_28 = %scan3A_15 to %scan3A_17 step %scan3A_18  : i32 {
      %mul3A_29 = arith.constant 1 : i32
      %mul3A_30 = arith.muli %scan3A_28, %mul3A_29 : i32
      %add3A_31 = arith.constant 0 : i32
      %add3A_32 = arith.addi %add3A_31, %mul3A_30 : i32
      %broadcast_in_dim3A = arith.constant 1.000000e+00 : f32
      %broadcast_in_dim3A_33 = vector.broadcast %broadcast_in_dim3A : f32 to vector<16xf32>
      %swap3A = arith.index_cast %add3A_32 : i32 to index
      %swap3A_34 = arith.constant 0 : index
      %swap3A_35 = tpu.vector_load %arg5[%swap3A, %swap3A_34] {strides = array<i32>} : memref<128x128xf32, #tpu.memory_space<vmem>>, vector<1x16xf32>,
      %swap3A_36 = vector.shape_cast %swap3A_35 : vector<1x16xf32> to vector<16xf32>
      %swap3A_37 = vector.shape_cast %broadcast_in_dim3A_33 : vector<16xf32> to vector<1x16xf32>
      tpu.vector_store %arg5[%swap3A, %swap3A_34], %swap3A_37 {strides = array<i32>} : memref<128x128xf32, #tpu.memory_space<vmem>>, vector<1x16xf32>,
    }
    %scan3A_19 = arith.constant 128 : i32
    %barrier3A = arith.constant 0 : index
    tpu.barrier barrier_id(%barrier3A)
    %mul3A_20 = arith.constant 80 : i32
    %mul3A_21 = arith.muli %add3A, %mul3A_20 : i32
    "tpu.region"() ({
      %run_scoped3A = tpu.sem_alloc : memref<!tpu.dma_semaphore, #tpu.memory_space<semaphore_mem>>
      %dma_start3A = arith.constant 0 : i32
      %dma_start3A_28 = tpu.memref_slice %arg2[%mul3A_21, %dma_start3A] : memref<2560x128xi32, #tpu.memory_space<hbm>> -> memref<80x128xi32, #tpu.memory_space<hbm>>
      %dma_start3A_29 = arith.constant 0 : i32
      %dma_start3A_30 = tpu.memref_slice %arg2[%mul3A_21, %dma_start3A_29] : memref<2560x128xi32, #tpu.memory_space<hbm>> -> memref<80x128xi32, #tpu.memory_space<hbm>>
      tpu.enqueue_dma source(%dma_start3A_30 : memref<80x128xi32, #tpu.memory_space<hbm>>) target(%arg4 : memref<80x128xi32, #tpu.memory_space<vmem>>) target_semaphore(%run_scoped3A : memref<!tpu.dma_semaphore, #tpu.memory_space<semaphore_mem>>)
      %dma_wait3A = arith.constant 0 : i32
      %dma_wait3A_31 = tpu.memref_slice %arg2[%mul3A_21, %dma_wait3A] : memref<2560x128xi32, #tpu.memory_space<hbm>> -> memref<80x128xi32, #tpu.memory_space<hbm>>
      %dma_wait3A_32 = arith.constant 0 : i32
      %dma_wait3A_33 = tpu.memref_slice %arg2[%mul3A_21, %dma_wait3A_32] : memref<2560x128xi32, #tpu.memory_space<hbm>> -> memref<80x128xi32, #tpu.memory_space<hbm>>
      tpu.wait_dma2 semaphore(%run_scoped3A : memref<!tpu.dma_semaphore, #tpu.memory_space<semaphore_mem>>) src(%dma_wait3A_33 : memref<80x128xi32, #tpu.memory_space<hbm>>) dst(%arg4 : memref<80x128xi32, #tpu.memory_space<vmem>>)
      tpu.yield
    }) : () -> ()
    %scan3A_22 = arith.constant 0 : i32
    %scan3A_23 = arith.constant 80 : i32
    %scan3A_24 = arith.addi %scan3A_22, %scan3A_23 : i32
    %scan3A_25 = arith.constant 1 : i32
    scf.for %scan3A_28 = %scan3A_22 to %scan3A_24 step %scan3A_25  : i32 {
      %mul3A_29 = arith.constant 1 : i32
      %mul3A_30 = arith.muli %scan3A_28, %mul3A_29 : i32
      %add3A_31 = arith.constant 0 : i32
      %add3A_32 = arith.addi %add3A_31, %mul3A_30 : i32
      "tpu.region"() ({
        %run_scoped3A = tpu.sem_alloc : memref<!tpu.dma_semaphore, #tpu.memory_space<semaphore_mem>>
        %dma_start3A = arith.constant 0 : i32
        %dma_start3A_33 = tpu.memref_slice %arg4[%add3A_32, %dma_start3A] : memref<80x128xi32, #tpu.memory_space<vmem>> -> memref<1x128xi32, #tpu.memory_space<vmem>>
        %dma_start3A_34 = tpu.memref_squeeze %dma_start3A_33 : memref<1x128xi32, #tpu.memory_space<vmem>> -> memref<128xi32, #tpu.memory_space<vmem>>
        %dma_start3A_35 = arith.constant 0 : i32
        %dma_start3A_36 = arith.constant 0 : i32
        %dma_start3A_37 = tpu.memref_slice %arg6[%dma_start3A_35, %dma_start3A_36] : memref<10112x128xf32, #tpu.memory_space<vmem_shared>> -> memref<10112x128xf32, #tpu.memory_space<vmem_shared>>
        tpu.enqueue_indirect_dma source(%arg5 : memref<128x128xf32, #tpu.memory_space<vmem>>) target(%dma_start3A_37 : memref<10112x128xf32, #tpu.memory_space<vmem_shared>>) offsets(%dma_start3A_34 : memref<128xi32, #tpu.memory_space<vmem>>) semaphore(%run_scoped3A : memref<!tpu.dma_semaphore, #tpu.memory_space<semaphore_mem>>) {add = true}
        %dma_wait3A = arith.constant 0 : i32
        %dma_wait3A_38 = tpu.memref_slice %arg4[%add3A_32, %dma_wait3A] : memref<80x128xi32, #tpu.memory_space<vmem>> -> memref<1x128xi32, #tpu.memory_space<vmem>>
        %dma_wait3A_39 = tpu.memref_squeeze %dma_wait3A_38 : memref<1x128xi32, #tpu.memory_space<vmem>> -> memref<128xi32, #tpu.memory_space<vmem>>
        %dma_wait3A_40 = arith.constant 0 : i32
        %dma_wait3A_41 = arith.constant 0 : i32
        %dma_wait3A_42 = tpu.memref_slice %arg6[%dma_wait3A_40, %dma_wait3A_41] : memref<10112x128xf32, #tpu.memory_space<vmem_shared>> -> memref<10112x128xf32, #tpu.memory_space<vmem_shared>>
        tpu.wait_indirect_dma semaphore(%run_scoped3A : memref<!tpu.dma_semaphore, #tpu.memory_space<semaphore_mem>>) src(%arg5 : memref<128x128xf32, #tpu.memory_space<vmem>>) dst(%dma_wait3A_42 : memref<10112x128xf32, #tpu.memory_space<vmem_shared>>)
        tpu.yield
      }) : () -> ()
    }
    %scan3A_26 = arith.constant 80 : i32
    %barrier3A_27 = arith.constant 0 : index
    tpu.barrier barrier_id(%barrier3A_27)
    "tpu.region"() ({
      %run_scoped3A = tpu.sem_alloc : memref<!tpu.dma_semaphore, #tpu.memory_space<semaphore_mem>>
      %dma_start3A = arith.constant 0 : i32
      %dma_start3A_28 = tpu.memref_slice %arg3[%arg0, %mul3A_6, %dma_start3A] : memref<2x10112x128xf32, #tpu.memory_space<hbm>> -> memref<1x632x128xf32, #tpu.memory_space<hbm>>
      %dma_start3A_29 = tpu.memref_squeeze %dma_start3A_28 : memref<1x632x128xf32, #tpu.memory_space<hbm>> -> memref<632x128xf32, #tpu.memory_space<hbm>>
      %dma_start3A_30 = arith.constant 0 : i32
      %dma_start3A_31 = tpu.memref_slice %arg6[%mul3A_6, %dma_start3A_30] : memref<10112x128xf32, #tpu.memory_space<vmem_shared>> -> memref<632x128xf32, #tpu.memory_space<vmem_shared>>
      tpu.enqueue_dma source(%dma_start3A_31 : memref<632x128xf32, #tpu.memory_space<vmem_shared>>) target(%dma_start3A_29 : memref<632x128xf32, #tpu.memory_space<hbm>>) target_semaphore(%run_scoped3A : memref<!tpu.dma_semaphore, #tpu.memory_space<semaphore_mem>>)
      %dma_wait3A = arith.constant 0 : i32
      %dma_wait3A_32 = tpu.memref_slice %arg3[%arg0, %mul3A_6, %dma_wait3A] : memref<2x10112x128xf32, #tpu.memory_space<hbm>> -> memref<1x632x128xf32, #tpu.memory_space<hbm>>
      %dma_wait3A_33 = tpu.memref_squeeze %dma_wait3A_32 : memref<1x632x128xf32, #tpu.memory_space<hbm>> -> memref<632x128xf32, #tpu.memory_space<hbm>>
      %dma_wait3A_34 = arith.constant 0 : i32
      %dma_wait3A_35 = tpu.memref_slice %arg6[%mul3A_6, %dma_wait3A_34] : memref<10112x128xf32, #tpu.memory_space<vmem_shared>> -> memref<632x128xf32, #tpu.memory_space<vmem_shared>>
      tpu.wait_dma2 semaphore(%run_scoped3A : memref<!tpu.dma_semaphore, #tpu.memory_space<semaphore_mem>>) src(%dma_wait3A_35 : memref<632x128xf32, #tpu.memory_space<vmem_shared>>) dst(%dma_wait3A_33 : memref<632x128xf32, #tpu.memory_space<hbm>>)
      tpu.yield
    }) : () -> ()
    return
  }
}

</mosaic_0001>

<sc_bundles>
// kernel: _sc_deg.3.cloned.1.call-start
scs
__scs_entry_jumppad:
0x0: {  	(pc) =	sbr.rel $0x88, $3  }
0x1: {  	(tag) =	ssettag $0x0;
	lr =	simm.s32 $0x1  }
0x2: {  	[smem:$0x3FA0] =	sst lr;
	_ =	strace $0xD0000000  }
0x3: {  	_ = 	snop  }
0x4: {  	_ = 	snop  }
0x5: {  	_ = 	snop  }
0x6: {  	_ = 	snop  }
0x7: {  	_ = 	snop  }
__scs_overlays_trampoline_lowered:
0x8: {  	[smem:$0x3FAF] =	sst s0  }
0x9: {  	[smem:$0x3FB0] =	sst s1  }
0xa: {  	[smem:$0x3FB1] =	sst s2  }
0xb: {  	[smem:$0x3FB2] =	sst s3  }
0xc: {  	[smem:$0x3FB3] =	sst s4  }
0xd: {  	[smem:$0x3FB4] =	sst s5  }
0xe: {  	[smem:$0x3FB5] =	sst s6  }
0xf: {  	[smem:$0x3FB6] =	sst s7  }
0x10: {  	[smem:$0x3FB7] =	sst s8  }
0x11: {  	[smem:$0x3FB8] =	sst s9;
	s0 =	simm.s32 @!p0 $0x0  }
0x12: {  	s1 =	sld [smem:$0x3F9E];
	s0 =	simm.s32 @p0 $0x1  }
0x13: {  	[smem:$0x3FB9] =	sst s0;
	s0 =	simm.s32 @!p1 $0x0  }
0x14: {  	s2 =	sld [smem:$0x3F9D];
	s0 =	simm.s32 @p1 $0x1  }
0x15: {  	[smem:$0x3FBA] =	sst s0;
	s0 =	simm.s32 @!p2 $0x0  }
0x16: {  	s3 =	sld [smem:$0x3FDB];
	s0 =	simm.s32 @p2 $0x1  }
0x17: {  	s4 =	simm.s32 $0x1BF5;
	[smem:$0x3FBC] =	sst s0  }
0x18: {  	s0 =	sld [smem:$0x3F9F];
	_ =	swait.ge [sflag:s4], $0x0  }
0x19: {  	s7 =	sld [smem:$0x3FA0]  }
0x1a: {  	s8 =	sadd.s32 $0xFFFFE003, lr  }
0x1b: {  	s9 =	sadd.s32 $0xFFFFFEF7, lr;
	s5 =	simm.s32 $0xFFFFFFFF;
	p2 =	slt.u32 s8, $0xFFFFF086  }
0x1c: {  	p1 =	slt.u32 s9, $0xF7A;
	s5 =	simm.s32 @!p2 $0x0  }
0x1d: {  	s5 =	simm.s32 @p1 $0x1;
	p0 =	seq.s32 s7, s2  }
0x1e: {  	s7 =	smul.u32 @!p0 $0xF7A, s2;
	p2 =	seq.s32 @!p0 s5, $0x0  }
0x1f: {  	s9 =	smul.u32 $0xF7A, s1;
	s8 =	simm.s32 @!p0 $0x1BF5;
	p2 =	por !p2, p0  }
0x20: {  	[sflag:s8] =	ssyncset.s32 @!p0 $0xFFFFF086;
	s6 =	sadd.s32 @!p0 s3, s7;
	s7 =	simm.s32 @!p0 $0x108  }
0x21: {  	s3 =	sadd.s32 s3, s9;
	s6 =	sadd.s32 @!p0 $0x88, s6;
	s7 =	simm.s32 @p2 $0x1082  }
0x22: {  	[simem:s7], [sflag:s8] =	dma.local @!p0 [hbm:s6], $0xF7A  }
0x23: {  	s9 =	sor.u32 $0xD0000000, s2;
	s6 =	simm.s32 $0x108;
	_ =	swait.ge @!p0 [sflag:s8], $0x0  }
0x24: {  	s3 =	sadd.s32 $0x88, s3;
	s6 =	simm.s32 @!p1 $0x1082;
	[sflag:s4] =	ssyncset.s32 $0xFFFFF086  }
0x25: {  	[simem:s6], [sflag:s4] =	dma.local [hbm:s3], $0xF7A  }
0x26: {  	[smem:$0x3FA0] =	sst s1;
	(tag) =	ssettag s2;
	_ =	strace s9  }
0x27: {  	s1 =	sld [smem:$0x3FB0]  }
0x28: {  	s2 =	sld [smem:$0x3FB1]  }
0x29: {  	s4 =	sld [smem:$0x3FB3]  }
0x2a: {  	p0 =	seq.s32 s5, $0x0;
	s5 =	sld [smem:$0x3FB4]  }
0x2b: {  	s6 =	sld [smem:$0x3FB5]  }
0x2c: {  	s7 =	sld [smem:$0x3FB6]  }
0x2d: {  	s3 =	simm.s32 $0x108;
	s8 =	sld [smem:$0x3FB7]  }
0x2e: {  	s3 =	simm.s32 @!p0 $0x1082;
	s9 =	sld [smem:$0x3FB8]  }
0x2f: {  	lr =	sadd.s32 s0, s3;
	s0 =	sld [smem:$0x3FAF]  }
0x30: {  	s3 =	sld [smem:$0x3FB2]  }
0x31: {  	[smem:$0x3FBB] =	sst s10  }
0x32: {  	s10 =	sld [smem:$0x3FB9];
	_ =	sdelay $0x3  }
0x33: {  	p0 =	seq.s32 s10, $0x1;
	s10 =	sld [smem:$0x3FBB];
	_ =	sdelay $0x3  }
0x34: {  	[smem:$0x3FBB] =	sst s10  }
0x35: {  	s10 =	sld [smem:$0x3FBA];
	_ =	sdelay $0x3  }
0x36: {  	p1 =	seq.s32 s10, $0x1;
	s10 =	sld [smem:$0x3FBB];
	_ =	sdelay $0x3  }
0x37: {  	[smem:$0x3FBB] =	sst s10  }
0x38: {  	s10 =	sld [smem:$0x3FBC]  }
0x39: {  	_ = 	snop;
	(pc) =	sbr.ind lr, $3  }
0x3a: {  	_ = 	snop  }
0x3b: {  	_ = 	snop  }
0x3c: {  	p2 =	seq.s32 s10, $0x1;
	s10 =	sld [smem:$0x3FBB]  }
0x3d: {  	_ =	shalt  }
0x3e: {  	_ =	shalt  }
0x3f: {  	_ =	shalt  }
0x40: {  	_ =	shalt  }
0x41: {  	_ =	shalt  }
0x42: {  	_ =	shalt  }
0x43: {  	_ =	shalt  }
0x44: {  	_ =	shalt  }
0x45: {  	_ =	shalt  }
0x46: {  	_ =	shalt  }
0x47: {  	_ =	shalt  }
0x48: {  	_ =	shalt  }
0x49: {  	_ =	shalt  }
0x4a: {  	_ =	shalt  }
0x4b: {  	_ =	shalt  }
0x4c: {  	_ =	shalt  }
0x4d: {  	_ =	shalt  }
0x4e: {  	_ =	shalt  }
0x4f: {  	_ =	shalt  }
0x50: {  	_ =	shalt  }
0x51: {  	_ =	shalt  }
0x52: {  	_ =	shalt  }
0x53: {  	_ =	shalt  }
0x54: {  	_ =	shalt  }
0x55: {  	_ =	shalt  }
0x56: {  	_ =	shalt  }
0x57: {  	_ =	shalt  }
0x58: {  	_ =	shalt  }
0x59: {  	_ =	shalt  }
0x5a: {  	_ =	shalt  }
0x5b: {  	_ =	shalt  }
0x5c: {  	_ =	shalt  }
0x5d: {  	_ =	shalt  }
0x5e: {  	_ =	shalt  }
0x5f: {  	_ =	shalt  }
0x60: {  	_ =	shalt  }
0x61: {  	_ =	shalt  }
0x62: {  	_ =	shalt  }
0x63: {  	_ =	shalt  }
0x64: {  	_ =	shalt  }
0x65: {  	_ =	shalt  }
0x66: {  	_ =	shalt  }
0x67: {  	_ =	shalt  }
0x68: {  	_ =	shalt  }
0x69: {  	_ =	shalt  }
0x6a: {  	_ =	shalt  }
0x6b: {  	_ =	shalt  }
0x6c: {  	_ =	shalt  }
0x6d: {  	_ =	shalt  }
0x6e: {  	_ =	shalt  }
0x6f: {  	_ =	shalt  }
0x70: {  	_ =	shalt  }
0x71: {  	_ =	shalt  }
0x72: {  	_ =	shalt  }
0x73: {  	_ =	shalt  }
0x74: {  	_ =	shalt  }
0x75: {  	_ =	shalt  }
0x76: {  	_ =	shalt  }
0x77: {  	_ =	shalt  }
0x78: {  	_ =	shalt  }
0x79: {  	_ =	shalt  }
0x7a: {  	_ =	shalt  }
0x7b: {  	_ =	shalt  }
0x7c: {  	_ =	shalt  }
0x7d: {  	_ =	shalt  }
0x7e: {  	_ =	shalt  }
0x7f: {  	_ =	shalt  }
0x80: {  	_ =	shalt  }
0x81: {  	_ =	shalt  }
0x82: {  	_ =	shalt  }
0x83: {  	_ =	shalt  }
0x84: {  	_ =	shalt  }
0x85: {  	_ =	shalt  }
0x86: {  	_ =	shalt  }
0x87: {  	_ =	shalt  }
.Lfunc_end0:
.L_simem_size_0:
called_computation_lowered:
.L_overlay_start_0:
0x88: {  	s2 =	sld [smem:$0x3FD9]  }
0x89: {  	s3 =	sld [smem:$0x3FFE];
	_ =	sdelay $0x1  }
0x8a: {  	s1 =	srdreg.scid  }
0x8b: {  	s0 =	sand.u32 $0x1, s1  }
0x8c: {  	s18 =	sshll.u32 s0, $0xA;
	s2 =	sadd.s32 s3, s2  }
0x8d: {  	s2 =	sadd.s32 s2, s18  }
0x8e: {  	[smem:$0x3FC7] =	sst s2  }
0x8f: {  	_ = 	snop  }
0x90: {  	s2 =	sld [smem:$0x3FC9]  }
0x91: {  	s19 =	sld [smem:$0x3FD0];
	(tm) =	ssettm $0x1  }
0x92: {  	s4 =	sld [smem:$0x3FFB];
	_ =	sdelay $0x3  }
0x93: {  	_ =	strace s4  }
0x94: {  	s4 =	sld [smem:$0x3FFC];
	_ =	sdelay $0x3  }
0x95: {  	_ =	strace s4  }
0x96: {  	s4 =	sld [smem:$0x3FFD];
	_ =	sdelay $0x3  }
0x97: {  	_ =	strace s4  }
0x98: {  	_ =	strace $0x8FFFFFFF  }
0x99: {  	s20 =	sld [smem:$0x3FDB];
	_ =	sdelay $0x1  }
0x9a: {  	s5 =	simm.s32 $_scs_section_size  }
0x9b: {  	s6 =	simm.s32 $_size__tile_overlayer_lowered;
	s7 =	simm.s32 $_tile_overlayer_lowered  }
0x9c: {  	s23 =	simm.s32 $0x1BFF;
	s22 =	sshll.u32 s7, $0x1;
	s4 =	sadd.s32 s5, s20  }
0x9d: {  	s8 =	simm.s32 $0x0;
	s21 =	sshll.u32 s6, $0x1;
	s6 =	sadd.s32 s22, s4  }
0x9e: {  	[timem:s8], [sflag:s23] =	dma.local [hbm:s6], s21  }
0x9f: {  	_ =	swait.ge [sflag:s23], s21  }
0xa0: {  	s5 =	ssub.s32 $0x0, s21;
	[sflag:s23] =	ssyncset.done $0x0  }
0xa1: {  	[sflag:s23] =	ssyncadd.s32 s5;
	_ =	sdelay $0x1  }
0xa2: {  	s24 =	simm.s32 $0x1B8B  }
0xa3: {  	_ =	swait.ge [sflag:s24], $0x1  }
0xa4: {  	[sflag:s24] =	ssyncset.done $0x0  }
0xa5: {  	s25 =	simm.s32 $0x1B8E;
	[sflag:s24] =	ssyncadd.s32 $0xFFFFFFFF  }
0xa6: {  	s26 =	simm.s32 $execute0_lowered;
	[smem:$0x3FD2] =	sst s25  }
0xa7: {  	s5 =	sshll.u32 s26, $0x1;
	_ =	strace $0x80000046;
	[dreg:$0x1] =	wrdreg $0xFFFFFFFF  }
0xa8: {  	s28 =	simm.s32 $_size_execute0_lowered;
	s4 =	sadd.s32 s4, s5;
	[dreg:$0x0] =	wrdreg $0x0  }
0xa9: {  	s5 =	sshll.u32 s28, $0x1;
	[dreg:$0x2] =	wrdreg s4  }
0xaa: {  	[dreg:$0x3] =	wrdreg s5  }
0xab: {  	[dreg:$0x4] =	wrdreg $0xC0  }
0xac: {  	_ =	task [dreg:s8], $0x5FFFF  }
0xad: {  	[dreg:$0x1] =	wrdreg $0xFFFFFFFF  }
0xae: {  	[dreg:$0x0] =	wrdreg $0x60  }
0xaf: {  	[dreg:$0x2] =	wrdreg s2  }
0xb0: {  	[dreg:$0x3] =	wrdreg s19  }
0xb1: {  	[dreg:$0x4] =	wrdreg $0x68000  }
0xb2: {  	[dreg:$0x5] =	wrdreg $0x9  }
0xb3: {  	_ =	task.clear_ibuf [dreg:s8], $0x6FFFF;
	_ =	strace $0x90000046  }
0xb4: {  	s29 =	simm.s32 $0x9;
	_ =	strace $0x80000048  }
0xb5: {  	_ =	swait.ge [sflag:s29], $0x1  }
0xb6: {  	[sflag:s29] =	ssyncadd.s32 $0xFFFFFFFF  }
0xb7: {  	_ =	strace $0x90000048  }
0xb8: {  	_ =	sfence  }
0xb9: {  	s30 =	sld [smem:$0x0];
	_ =	sdelay $0x2  }
0xba: {  	s31 =	sshll.u32 s1, $0xD;
	s1 =	sshrl.u32 s1, $0x2  }
0xbb: {  	s3 =	sand.u32 $0x4000, s31;
	s1 =	sadd.s32 s1, s30  }
0xbc: {  	s0 =	sor.u32 s3, s0;
	s1 =	sshll.u32 s1, $0x11  }
0xbd: {  	s0 =	sor.u32 s1, s0  }
0xbe: {  	s0 =	sadd.s32 $0x8F2B, s0  }
0xbf: {  	[sflag:s0] =	ssyncadd.remote.s32 $0x1  }
0xc0: {  	_ =	sfence.sel $0xFFFF  }
0xc1: {  	[dreg:$0x0] =	wrdreg $0xFFFFFFFF;
	(pc) =	sbr.abs _section_cstart, $3  }
0xc2: {  	[dreg:$0x1] =	wrdreg $0xFFFFFFFF  }
0xc3: {  	_ =	task.clear_ibuf [dreg:s8], $0x2FFFF;
	_ =	strace $0x9FFFFFFF  }
0xc4: {  	(tm) =	ssettm $0x7FFFFFFF  }
0xc5: {  	_ =	shalt  }
tec
execute0_lowered:
.L_overlay_start_1:
0x0: {  	(tag) =	ssettag $0x1  }
0x1: {  	s6 =	rddreg [dreg:$0x0]  }
0x2: {  	s7 =	rddreg [dreg:$0x1]  }
0x3: {  	s2 =	rddreg [dreg:$0x2]  }
0x4: {  	s0 =	rddreg [dreg:$0x3];
	s3 =	simm.s32 $0x0;
	s4 =	srdreg.scid  }
0x5: {  	s1 =	stileid.u32;
	s13 =	simm.s32 $0x1;
	s14 =	simm.s32 $0x80  }
0x6: {  	[smem:$0x7FF] =	sst s3;
	s4 =	sand.u32 $0x1, s4;
	s5 =	smul.u32 $0x4F000, s1  }
0x7: {  	s10 =	smul.u32 $0x13C00, s1;
	s15 =	sshll.u32 s1, $0x6;
	_ =	strace $0x80000047  }
0x8: {  	s8 =	smul.u32 $0x13C000, s4;
	s9 =	ssub.s32 $0x2, s4;
	s4 =	sshll.u32 s4, $0x4  }
0x9: {  	s15 =	sor.u32 $0x1C01, s15;
	s12 =	sor.u32 s1, s4;
	s31 =	sshrl.u32 s5, $0x2  }
0xa: {  	s11 =	sshrl.u32 s9, $0x1;
	s4 =	sadd.s32 s31, s2;
	s12 =	smul.u32 $0x500, s12  }
0xb: {  	s8 =	sadd.s32 s10, s8;
	s9 =	ssub.s32 s9, s11;
	s5 =	sadd.s32 $0x10000, s4  }
0xc: {  	s8 =	sshrl.u32 s8, $0x3;
	s10 =	sadd.s32 $0x8000, s4;
	s11 =	sadd.s32 $0xC000, s4  }
0xd: {  	s16 =	sshrl.u32 s4, $0x3;
	s6 =	sadd.s32 s6, s12;
	s7 =	sadd.s32 s7, s8  }
0xe: {  	v0 =	vimm.f32 $0.0e+00;
	v1 =	vimm.f32 $1.000000000e+00;
	s8 =	smax.u32 s9, $0x1;
	s9 =	sadd.s32 $0x4000, s4;
	s12 =	simm.s32 $0x2800  }
.LBB2_1:
0xf: {  	s17 =	simm.s32 $0x0;
	s18 =	simm.s32 $0x200  }
.LBB2_2:
0x10: {  	p0 =	sne.s32 s18, $0xFE00;
	[tilespmem:s17+$0x2870] =	vst v0  }
0x11: {  	[tilespmem:s17+$0x2800] =	vst v0  }
0x12: {  	[tilespmem:s17+$0x2810] =	vst v0  }
.Ltmp0:
0x13: {  	[tilespmem:s17+$0x2820] =	vst v0;
	(pc) =	sbr.rel @p0 .LBB2_2-.Ltmp0, $4  }
0x14: {  	[tilespmem:s17+$0x2830] =	vst v0  }
0x15: {  	[tilespmem:s17+$0x2840] =	vst v0  }
0x16: {  	[tilespmem:s17+$0x2850] =	vst v0  }
0x17: {  	[tilespmem:s17+$0x2860] =	vst v0;
	s17 =	sshra.s32 s18, $0x2;
	s18 =	sadd.s32 $0x200, s18  }
0x18: {  	[tilespmem:s17+$0x2870] =	vst v0  }
0x19: {  	[tilespmem:s17+$0x2800] =	vst v0  }
0x1a: {  	[tilespmem:s17+$0x2810] =	vst v0  }
0x1b: {  	[tilespmem:s17+$0x2820] =	vst v0  }
0x1c: {  	[tilespmem:s17+$0x2830] =	vst v0  }
0x1d: {  	[tilespmem:s17+$0x2840] =	vst v0  }
0x1e: {  	[tilespmem:s17+$0x2850] =	vst v0  }
0x1f: {  	[tilespmem:s17+$0x2860] =	vst v0  }
0x20: {  	[spmem:s4] =	stream.linear.scatter [tilespmem:s12], [sflag:$0x1], $0x4000, $0x38;
	[tilespmem:$0x1A400] =	vst v63  }
0x21: {  	_ =	swait.ge [sflag:s13], $0x4000  }
0x22: {  	[sflag:s13] =	ssyncset.done $0x0  }
0x23: {  	[sflag:s13] =	ssyncadd.s32 $0xFFFFC000  }
0x24: {  	[spmem:s9] =	stream.linear.scatter [tilespmem:s12], [sflag:$0x1], $0x4000, $0x38;
	[tilespmem:$0x1A400] =	vst v63  }
0x25: {  	_ =	swait.ge [sflag:s13], $0x4000  }
0x26: {  	[sflag:s13] =	ssyncset.done $0x0  }
0x27: {  	[sflag:s13] =	ssyncadd.s32 $0xFFFFC000  }
0x28: {  	[spmem:s10] =	stream.linear.scatter [tilespmem:s12], [sflag:$0x1], $0x4000, $0x38;
	[tilespmem:$0x1A400] =	vst v63  }
0x29: {  	_ =	swait.ge [sflag:s13], $0x4000  }
0x2a: {  	[sflag:s13] =	ssyncset.done $0x0  }
0x2b: {  	[sflag:s13] =	ssyncadd.s32 $0xFFFFC000  }
0x2c: {  	[spmem:s11] =	stream.linear.scatter [tilespmem:s12], [sflag:$0x1], $0x4000, $0x38;
	[tilespmem:$0x1A400] =	vst v63  }
0x2d: {  	_ =	swait.ge [sflag:s13], $0x4000  }
0x2e: {  	[sflag:s13] =	ssyncset.done $0x0  }
0x2f: {  	[sflag:s13] =	ssyncadd.s32 $0xFFFFC000  }
0x30: {  	[spmem:s5] =	stream.linear.scatter [tilespmem:s12], [sflag:$0x1], $0x3C00, $0x38;
	[tilespmem:$0x1A400] =	vst v63  }
0x31: {  	_ =	swait.ge [sflag:s13], $0x3C00  }
0x32: {  	[sflag:s13] =	ssyncset.done $0x0  }
0x33: {  	s17 =	simm.s32 $0x200;
	s18 =	simm.s32 $0x0;
	[sflag:s13] =	ssyncadd.s32 $0xFFFFC400  }
.LBB2_4:
0x34: {  	p0 =	sne.s32 s17, $0xFE00;
	[tilespmem:s18+$0x2800] =	vst v1;
	s18 =	smov.u32 s17;
	s17 =	sadd.s32 $0x200, s17  }
.Ltmp1:
0x35: {  	(pc) =	sbr.rel @p0 .LBB2_4-.Ltmp1, $2  }
0x36: {  	_ =	sdelay $0x2  }
0x37: {  	s18 =	sshra.s32 s18, $0x2  }
0x38: {  	[tilespmem:s18+$0x2800] =	vst v1  }
0x39: {  	s17 =	simm.s32 $0x0;
	[bflag:$0x0] =	sbarrier.arrive $0xFFFF  }
0x3a: {  	[tilespmem:s17], [sflag:$0x1] =	stream.linear.gather [hbm4b:s6+s17], $0x2800, $0x38;
	[tilespmem:$0x1A400] =	vst v63  }
0x3b: {  	_ =	swait.ge [sflag:s13], $0x2800  }
0x3c: {  	[sflag:s13] =	ssyncset.done $0x0  }
0x3d: {  	s31 =	simm.s32 $0x0;
	[sflag:s13] =	ssyncadd.s32 $0xFFFFD800  }
0x3e: {  	[spmem:s2] =	stream.indirect.scatter.add.f32 [tilespmem:s12], [sflag:$0x1], $0x80, s31, s14, $0xb8;
	[tilespmem:$0x1A400] =	vst v63  }
0x3f: {  	_ =	swait.ge [sflag:s13], $0x4000  }
0x40: {  	s17 =	simm.s32 $0x200;
	[sflag:s13] =	ssyncset.done $0x0  }
.LBB2_6:
0x41: {  	s18 =	sshra.s32 s17, $0x2;
	[sflag:s13] =	ssyncadd.s32 $0xFFFFC000;
	p0 =	sne.s32 s17, $0x9E00  }
0x42: {  	[spmem:s2] =	stream.indirect.scatter.add.f32 [tilespmem:s12], [sflag:$0x1], $0x80, s18, s14, $0xb8;
	[tilespmem:$0x1A400] =	vst v63  }
.Ltmp2:
0x43: {  	_ = 	snop;
	(pc) =	sbr.rel @p0 .LBB2_6-.Ltmp2, $4  }
0x44: {  	_ = 	snop  }
0x45: {  	s17 =	sadd.s32 $0x200, s17  }
0x46: {  	_ =	swait.ge [sflag:s13], $0x4000  }
0x47: {  	[sflag:s13] =	ssyncset.done $0x0  }
0x48: {  	s3 =	sadd.s32 $0x1, s3  }
0x49: {  	[sflag:s13] =	ssyncadd.s32 $0xFFFFC000;
	p0 =	sne.s32 s3, s8  }
.Ltmp3:
0x4a: {  	[bflag:$0x0] =	sbarrier.arrive $0xFFFF;
	(pc) =	sbr.rel @p0 .LBB2_1-.Ltmp3, $4  }
0x4b: {  	[hbm:s7], [sflag:s15] =	dma.local [spmem:s16], $0x2780  }
0x4c: {  	_ =	swait.ge [sflag:s13], $0x2780  }
0x4d: {  	[sflag:s13] =	ssyncset.done $0x0  }
0x4e: {  	[sflag:s13] =	ssyncadd.s32 $0xFFFFD880  }
0x4f: {  	_ =	sfence.sel $0x180000  }
0x50: {  	[bflag:$0x0] =	sbarrier.arrive $0xFFFF  }
0x51: {  	p0 =	sne.s32 s1, $0x0;
	_ =	strace $0x90000047  }
0x52: {  	s0 =	sadd.s32 @!p0 $0x100000, s0;
	[bflag:$0x2] =	sbarrier.arrive $0xFFFF  }
0x53: {  	[sflag:s0] =	ssyncadd.tile.s32 @!p0 $0x1;
	_ =	shalt  }
.Lfunc_end2:
_tile_overlayer_lowered:
.L_overlay_start_2:
0x54: {  	(tag) =	ssettag $0x2  }
0x55: {  	s0 =	rddreg [dreg:$0x0];
	s2 =	stileid.u32  }
0x56: {  	s1 =	rddreg [dreg:$0x1];
	p0 =	sne.s32 s2, $0x0  }
0x57: {  	s3 =	rddreg [dreg:$0x2];
	[bflag:$0x3] =	sbarrier.arrive $0xFFFF;
	s2 =	simm.s32 @!p0 $0x1C01  }
0x58: {  	[timem:s3], [sflag:s2] =	dma.local @!p0 [hbm:s0], s1  }
0x59: {  	s0 =	simm.s32 @!p0 $0x1  }
0x5a: {  	_ =	swait.ge @!p0 [sflag:s0], s1  }
0x5b: {  	s1 =	ssub.s32 @!p0 $0x0, s1;
	[sflag:s0] =	ssyncset.done @!p0 $0x0  }
0x5c: {  	[sflag:s0] =	ssyncadd.s32 @!p0 s1  }
0x5d: {  	[bflag:$0x3] =	sbarrier.arrive $0xFFFF  }
0x5e: {  	_ =	shalt  }

</sc_bundles>
